<compile_context>
chip_gen: v7x
topology: tpu7x:2x2x1
jax: 0.10.2.dev20260603
libtpu: 0.0.44.dev20260713+nightly
codegen_flags: <defaults>
</compile_context>

<pallas_src>
import functools

import jax
import jax.numpy as jnp
from jax import lax
from jax.experimental import pallas as pl
from jax.experimental.pallas import tpu as pltpu, tpu_sc as plsc

N = 10000
F = 128
E = 320000

NC = 2
NS = 16
NW = NC * NS

CH = 128
CPW = 80
CAP = NW * CPW * CH
ROWS = 10240
RPT = ROWS // NS
OPT = 632
OUT_ROWS = NS * OPT
TRASH = OUT_ROWS

_mesh = plsc.VectorSubcoreMesh(core_axis_name="c", subcore_axis_name="s")


@functools.partial(
    pl.kernel,
    mesh=_mesh,
    out_type=jax.ShapeDtypeStruct((NC, OUT_ROWS, 16), jnp.float32),
    scratch_types=[
        pltpu.VMEM((CPW, CH), jnp.int32),
        pltpu.VMEM((CH, 16), jnp.float32),
        pltpu.VMEM_SHARED((ROWS, 16), jnp.float32),
    ],
)
def _deg_kernel(dsts_hbm, z_hbm, ones_hbm, out_hbm, dst_v, buf, deg_sh):
    c = lax.axis_index("c")
    s = lax.axis_index("s")
    wid = s * NC + c
    pltpu.sync_copy(dsts_hbm.at[wid], dst_v)
    pltpu.sync_copy(z_hbm, deg_sh.at[pl.ds(s * RPT, RPT)])
    pltpu.sync_copy(ones_hbm, buf)
    plsc.subcore_barrier()

    def _body(j, carry):
        pltpu.sync_copy(buf, deg_sh.at[dst_v.at[j]], add=True)
        return carry

    lax.fori_loop(0, CPW, _body, 0)
    plsc.subcore_barrier()
    pltpu.sync_copy(deg_sh.at[pl.ds(s * OPT, OPT)],
                    out_hbm.at[c, pl.ds(s * OPT, OPT)])


@functools.partial(
    pl.kernel,
    mesh=_mesh,
    out_type=jax.ShapeDtypeStruct((NC, OUT_ROWS, F), jnp.float32),
    scratch_types=[
        pltpu.VMEM((CPW, CH), jnp.int32),
        pltpu.VMEM((CPW, CH), jnp.int32),
        pltpu.VMEM((CH, F), jnp.float32),
        pltpu.SemaphoreType.DMA,
        pltpu.VMEM_SHARED((ROWS, F), jnp.float32),
    ],
)
def _agg_kernel(g_hbm, srcs_hbm, dsts_hbm, zf_hbm, out_hbm, src_v, dst_v,
                buf, sem, acc_sh):
    c = lax.axis_index("c")
    s = lax.axis_index("s")
    wid = s * NC + c
    pltpu.sync_copy(srcs_hbm.at[wid], src_v)
    pltpu.sync_copy(dsts_hbm.at[wid], dst_v)
    pltpu.sync_copy(zf_hbm, acc_sh.at[pl.ds(s * RPT, RPT)])
    plsc.subcore_barrier()

    def _body(j, carry):
        pltpu.async_copy(g_hbm.at[src_v.at[j]], buf, sem).wait()
        pltpu.sync_copy(buf, acc_sh.at[dst_v.at[j]], add=True)
        return carry

    lax.fori_loop(0, CPW, _body, 0)
    plsc.subcore_barrier()
    pltpu.sync_copy(acc_sh.at[pl.ds(s * OPT, OPT)],
                    out_hbm.at[c, pl.ds(s * OPT, OPT)])


def _transform_body(degp_ref, x_ref, w_ref, g_ref, dis_ref):
    deg = degp_ref[0, :, 0:1] + degp_ref[1, :, 0:1] + 1.0
    dis = lax.rsqrt(deg)
    h = jnp.dot(x_ref[...], w_ref[...], preferred_element_type=jnp.float32)
    g_ref[...] = h * dis
    dis_ref[...] = dis


_transform = pl.pallas_call(
    _transform_body,
    out_shape=(
        jax.ShapeDtypeStruct((N, F), jnp.float32),
        jax.ShapeDtypeStruct((N, 1), jnp.float32),
    ),
)


def _finish_body(accp_ref, g_ref, dis_ref, b_ref, o_ref):
    acc = accp_ref[0] + accp_ref[1] + g_ref[...]
    o_ref[...] = acc * dis_ref[...] + b_ref[...]


_finish = pl.pallas_call(
    _finish_body,
    out_shape=jax.ShapeDtypeStruct((N, F), jnp.float32),
)


def kernel(x, edge_index, W, b):
    ei = edge_index.astype(jnp.int32)
    pad = CAP - E
    src = jnp.concatenate([ei[0], jnp.zeros((pad,), jnp.int32)])
    dst = jnp.concatenate([ei[1], jnp.full((pad,), TRASH, jnp.int32)])
    srcs = src.reshape(NW, CPW, CH)
    dsts = dst.reshape(NW, CPW, CH)

    z16 = jnp.zeros((RPT, 16), jnp.float32)
    ones16 = jnp.ones((CH, 16), jnp.float32)
    zf = jnp.zeros((RPT, F), jnp.float32)
    degp = _deg_kernel(dsts, z16, ones16)[:, :N]
    g, dis = _transform(degp, x, W)
    accp = _agg_kernel(g, srcs, dsts, zf)[:, :N]
    return _finish(accp, g, dis, b.reshape(1, F))

# --- scband reference (transcript-rebuilt; emitter-appended) ---
"""Pipeline reference for scband-linear-gcnencoder-9766755631464 (READ-ONLY COPY).

The authoritative reference and input builder live on the scoring server;
editing this copy changes nothing except your own understanding.
"""

import jax, jax.numpy as jnp
import numpy as np

N_NODES = 10000
N_EDGES = 320000
IN_DIM = 128
OUT_DIM = 128


def setup_inputs(seed: int = 0) -> dict:
    key = jax.random.key(seed)
    k_x, k_ei, k_w = jax.random.split(key, 3)
    x = jax.random.normal(k_x, (N_NODES, IN_DIM), dtype=jnp.float32)
    edge_index = jax.random.randint(k_ei, (2, N_EDGES), 0, N_NODES, dtype=jnp.int64)
    # GCNConv linear weight (PyG uses Linear(in_dim, out_dim, bias=False) + separate bias)
    glorot = float(np.sqrt(6.0 / (IN_DIM + OUT_DIM)))
    W = jax.random.uniform(k_w, (IN_DIM, OUT_DIM), dtype=jnp.float32, minval=-glorot, maxval=glorot)
    b = jnp.zeros((OUT_DIM,), dtype=jnp.float32)
    return {"x": x, "edge_index": edge_index, "W": W, "b": b}


def reference(x, edge_index, W, b):
    # Faithful GCNConv forward (add_self_loops=True, normalize=True, cached irrelevant for a single call)
    N = x.shape[0]
    src = edge_index[0]
    dst = edge_index[1]
    # add self loops
    loop = jnp.arange(N, dtype=src.dtype)
    src = jnp.concatenate([src, loop], axis=0)
    dst = jnp.concatenate([dst, loop], axis=0)
    # symmetric normalization: deg computed on dst (col), norm = d^-1/2[src] * d^-1/2[dst]
    ones = jnp.ones(src.shape[0], dtype=x.dtype)
    deg = jnp.zeros((N,), dtype=x.dtype).at[dst].add(ones)
    deg_inv_sqrt = jnp.where(deg > 0, jax.lax.rsqrt(jnp.where(deg > 0, deg, 1.0)), 0.0)
    norm = deg_inv_sqrt[src] * deg_inv_sqrt[dst]
    # linear transform
    h = x @ W
    # message passing: gather at src, scale, scatter-add at dst
    msg = jnp.take(h, src, axis=0) * norm[:, None]
    out = jnp.zeros((N, h.shape[1]), dtype=h.dtype).at[dst].add(msg)
    return out + b

if __name__ == "__main__":
    import jax
    _d = setup_inputs()
    print(jax.jit(kernel)(*tuple(_d.values())))

</pallas_src>

<mosaic_0001>
#map = affine_map<(d0, d1) -> (0, 0, 0)>
#map1 = affine_map<(d0, d1) -> (0, 0)>
module attributes {stable_mosaic.version = 14 : i64} {
  func.func @_deg_kernel(%arg0: i32, %arg1: i32, %arg2: memref<32x80x128xi32, #tpu.memory_space<hbm>>, %arg3: memref<640x16xf32, #tpu.memory_space<hbm>>, %arg4: memref<128x16xf32, #tpu.memory_space<hbm>>, %arg5: memref<2x10112x16xf32, #tpu.memory_space<hbm>>, %arg6: memref<80x128xi32, #tpu.memory_space<vmem>>, %arg7: memref<128x16xf32, #tpu.memory_space<vmem>>, %arg8: memref<10240x16xf32, #tpu.memory_space<vmem_shared>>) attributes {dimension_semantics = [#tpu.dimension_semantics<core_parallel>, #tpu.dimension_semantics<subcore_parallel>], iteration_bounds = array<i64: 2, 16>, scalar_prefetch = 0 : i64, scratch_operands = 3 : i64, tpu.core_type = #tpu.core_type<sc_vector_subcore>, window_params = [{transform_indices = #map}, {transform_indices = #map1}, {transform_indices = #map1}, {transform_indices = #map}]} {
    %mul3A = arith.constant 2 : i32
    %mul3A_0 = arith.muli %arg1, %mul3A : i32
    %add3A = arith.addi %mul3A_0, %arg0 : i32
    "tpu.region"() ({
      %run_scoped3A = tpu.sem_alloc : memref<!tpu.dma_semaphore, #tpu.memory_space<semaphore_mem>>
      %dma_start3A = arith.constant 0 : i32
      %dma_start3A_13 = arith.constant 0 : i32
      %dma_start3A_14 = tpu.memref_slice %arg2[%add3A, %dma_start3A, %dma_start3A_13] : memref<32x80x128xi32, #tpu.memory_space<hbm>> -> memref<1x80x128xi32, #tpu.memory_space<hbm>>
      %dma_start3A_15 = tpu.memref_squeeze %dma_start3A_14 : memref<1x80x128xi32, #tpu.memory_space<hbm>> -> memref<80x128xi32, #tpu.memory_space<hbm>>
      %dma_start3A_16 = arith.constant 0 : i32
      %dma_start3A_17 = arith.constant 0 : i32
      %dma_start3A_18 = tpu.memref_slice %arg2[%add3A, %dma_start3A_16, %dma_start3A_17] : memref<32x80x128xi32, #tpu.memory_space<hbm>> -> memref<1x80x128xi32, #tpu.memory_space<hbm>>
      %dma_start3A_19 = tpu.memref_squeeze %dma_start3A_18 : memref<1x80x128xi32, #tpu.memory_space<hbm>> -> memref<80x128xi32, #tpu.memory_space<hbm>>
      tpu.enqueue_dma source(%dma_start3A_19 : memref<80x128xi32, #tpu.memory_space<hbm>>) target(%arg6 : memref<80x128xi32, #tpu.memory_space<vmem>>) target_semaphore(%run_scoped3A : memref<!tpu.dma_semaphore, #tpu.memory_space<semaphore_mem>>)
      %dma_wait3A = arith.constant 0 : i32
      %dma_wait3A_20 = arith.constant 0 : i32
      %dma_wait3A_21 = tpu.memref_slice %arg2[%add3A, %dma_wait3A, %dma_wait3A_20] : memref<32x80x128xi32, #tpu.memory_space<hbm>> -> memref<1x80x128xi32, #tpu.memory_space<hbm>>
      %dma_wait3A_22 = tpu.memref_squeeze %dma_wait3A_21 : memref<1x80x128xi32, #tpu.memory_space<hbm>> -> memref<80x128xi32, #tpu.memory_space<hbm>>
      %dma_wait3A_23 = arith.constant 0 : i32
      %dma_wait3A_24 = arith.constant 0 : i32
      %dma_wait3A_25 = tpu.memref_slice %arg2[%add3A, %dma_wait3A_23, %dma_wait3A_24] : memref<32x80x128xi32, #tpu.memory_space<hbm>> -> memref<1x80x128xi32, #tpu.memory_space<hbm>>
      %dma_wait3A_26 = tpu.memref_squeeze %dma_wait3A_25 : memref<1x80x128xi32, #tpu.memory_space<hbm>> -> memref<80x128xi32, #tpu.memory_space<hbm>>
      tpu.wait_dma2 semaphore(%run_scoped3A : memref<!tpu.dma_semaphore, #tpu.memory_space<semaphore_mem>>) src(%dma_wait3A_26 : memref<80x128xi32, #tpu.memory_space<hbm>>) dst(%arg6 : memref<80x128xi32, #tpu.memory_space<vmem>>)
      tpu.yield
    }) : () -> ()
    %mul3A_1 = arith.constant 640 : i32
    %mul3A_2 = arith.muli %arg1, %mul3A_1 : i32
    "tpu.region"() ({
      %run_scoped3A = tpu.sem_alloc : memref<!tpu.dma_semaphore, #tpu.memory_space<semaphore_mem>>
      %dma_start3A = arith.constant 0 : i32
      %dma_start3A_13 = tpu.memref_slice %arg8[%mul3A_2, %dma_start3A] : memref<10240x16xf32, #tpu.memory_space<vmem_shared>> -> memref<640x16xf32, #tpu.memory_space<vmem_shared>>
      tpu.enqueue_dma source(%arg3 : memref<640x16xf32, #tpu.memory_space<hbm>>) target(%dma_start3A_13 : memref<640x16xf32, #tpu.memory_space<vmem_shared>>) target_semaphore(%run_scoped3A : memref<!tpu.dma_semaphore, #tpu.memory_space<semaphore_mem>>)
      %dma_wait3A = arith.constant 0 : i32
      %dma_wait3A_14 = tpu.memref_slice %arg8[%mul3A_2, %dma_wait3A] : memref<10240x16xf32, #tpu.memory_space<vmem_shared>> -> memref<640x16xf32, #tpu.memory_space<vmem_shared>>
      tpu.wait_dma2 semaphore(%run_scoped3A : memref<!tpu.dma_semaphore, #tpu.memory_space<semaphore_mem>>) src(%arg3 : memref<640x16xf32, #tpu.memory_space<hbm>>) dst(%dma_wait3A_14 : memref<640x16xf32, #tpu.memory_space<vmem_shared>>)
      tpu.yield
    }) : () -> ()
    "tpu.region"() ({
      %run_scoped3A = tpu.sem_alloc : memref<!tpu.dma_semaphore, #tpu.memory_space<semaphore_mem>>
      tpu.enqueue_dma source(%arg4 : memref<128x16xf32, #tpu.memory_space<hbm>>) target(%arg7 : memref<128x16xf32, #tpu.memory_space<vmem>>) target_semaphore(%run_scoped3A : memref<!tpu.dma_semaphore, #tpu.memory_space<semaphore_mem>>)
      tpu.wait_dma2 semaphore(%run_scoped3A : memref<!tpu.dma_semaphore, #tpu.memory_space<semaphore_mem>>) src(%arg4 : memref<128x16xf32, #tpu.memory_space<hbm>>) dst(%arg7 : memref<128x16xf32, #tpu.memory_space<vmem>>)
      tpu.yield
    }) : () -> ()
    %barrier3A = arith.constant 0 : index
    tpu.barrier barrier_id(%barrier3A)
    %scan3A = arith.constant 0 : i32
    %scan3A_3 = arith.constant 0 : i32
    %scan3A_4 = arith.constant 80 : i32
    %scan3A_5 = arith.addi %scan3A_3, %scan3A_4 : i32
    %scan3A_6 = arith.constant 1 : i32
    scf.for %scan3A_13 = %scan3A_3 to %scan3A_5 step %scan3A_6  : i32 {
      "tpu.region"() ({
        %run_scoped3A = tpu.sem_alloc : memref<!tpu.dma_semaphore, #tpu.memory_space<semaphore_mem>>
        %dma_start3A = arith.constant 0 : i32
        %dma_start3A_14 = tpu.memref_slice %arg6[%scan3A_13, %dma_start3A] : memref<80x128xi32, #tpu.memory_space<vmem>> -> memref<1x128xi32, #tpu.memory_space<vmem>>
        %dma_start3A_15 = tpu.memref_squeeze %dma_start3A_14 : memref<1x128xi32, #tpu.memory_space<vmem>> -> memref<128xi32, #tpu.memory_space<vmem>>
        %dma_start3A_16 = arith.constant 0 : i32
        %dma_start3A_17 = arith.constant 0 : i32
        %dma_start3A_18 = tpu.memref_slice %arg8[%dma_start3A_16, %dma_start3A_17] : memref<10240x16xf32, #tpu.memory_space<vmem_shared>> -> memref<10240x16xf32, #tpu.memory_space<vmem_shared>>
        tpu.enqueue_indirect_dma source(%arg7 : memref<128x16xf32, #tpu.memory_space<vmem>>) target(%dma_start3A_18 : memref<10240x16xf32, #tpu.memory_space<vmem_shared>>) offsets(%dma_start3A_15 : memref<128xi32, #tpu.memory_space<vmem>>) semaphore(%run_scoped3A : memref<!tpu.dma_semaphore, #tpu.memory_space<semaphore_mem>>) {add = true}
        %dma_wait3A = arith.constant 0 : i32
        %dma_wait3A_19 = tpu.memref_slice %arg6[%scan3A_13, %dma_wait3A] : memref<80x128xi32, #tpu.memory_space<vmem>> -> memref<1x128xi32, #tpu.memory_space<vmem>>
        %dma_wait3A_20 = tpu.memref_squeeze %dma_wait3A_19 : memref<1x128xi32, #tpu.memory_space<vmem>> -> memref<128xi32, #tpu.memory_space<vmem>>
        %dma_wait3A_21 = arith.constant 0 : i32
        %dma_wait3A_22 = arith.constant 0 : i32
        %dma_wait3A_23 = tpu.memref_slice %arg8[%dma_wait3A_21, %dma_wait3A_22] : memref<10240x16xf32, #tpu.memory_space<vmem_shared>> -> memref<10240x16xf32, #tpu.memory_space<vmem_shared>>
        tpu.wait_indirect_dma semaphore(%run_scoped3A : memref<!tpu.dma_semaphore, #tpu.memory_space<semaphore_mem>>) src(%arg7 : memref<128x16xf32, #tpu.memory_space<vmem>>) dst(%dma_wait3A_23 : memref<10240x16xf32, #tpu.memory_space<vmem_shared>>)
        tpu.yield
      }) : () -> ()
    }
    %scan3A_7 = arith.constant 80 : i32
    %barrier3A_8 = arith.constant 0 : index
    tpu.barrier barrier_id(%barrier3A_8)
    %mul3A_9 = arith.constant 632 : i32
    %mul3A_10 = arith.muli %arg1, %mul3A_9 : i32
    %mul3A_11 = arith.constant 632 : i32
    %mul3A_12 = arith.muli %arg1, %mul3A_11 : i32
    "tpu.region"() ({
      %run_scoped3A = tpu.sem_alloc : memref<!tpu.dma_semaphore, #tpu.memory_space<semaphore_mem>>
      %dma_start3A = arith.constant 0 : i32
      %dma_start3A_13 = tpu.memref_slice %arg5[%arg0, %mul3A_12, %dma_start3A] : memref<2x10112x16xf32, #tpu.memory_space<hbm>> -> memref<1x632x16xf32, #tpu.memory_space<hbm>>
      %dma_start3A_14 = tpu.memref_squeeze %dma_start3A_13 : memref<1x632x16xf32, #tpu.memory_space<hbm>> -> memref<632x16xf32, #tpu.memory_space<hbm>>
      %dma_start3A_15 = arith.constant 0 : i32
      %dma_start3A_16 = tpu.memref_slice %arg8[%mul3A_10, %dma_start3A_15] : memref<10240x16xf32, #tpu.memory_space<vmem_shared>> -> memref<632x16xf32, #tpu.memory_space<vmem_shared>>
      tpu.enqueue_dma source(%dma_start3A_16 : memref<632x16xf32, #tpu.memory_space<vmem_shared>>) target(%dma_start3A_14 : memref<632x16xf32, #tpu.memory_space<hbm>>) target_semaphore(%run_scoped3A : memref<!tpu.dma_semaphore, #tpu.memory_space<semaphore_mem>>)
      %dma_wait3A = arith.constant 0 : i32
      %dma_wait3A_17 = tpu.memref_slice %arg5[%arg0, %mul3A_12, %dma_wait3A] : memref<2x10112x16xf32, #tpu.memory_space<hbm>> -> memref<1x632x16xf32, #tpu.memory_space<hbm>>
      %dma_wait3A_18 = tpu.memref_squeeze %dma_wait3A_17 : memref<1x632x16xf32, #tpu.memory_space<hbm>> -> memref<632x16xf32, #tpu.memory_space<hbm>>
      %dma_wait3A_19 = arith.constant 0 : i32
      %dma_wait3A_20 = tpu.memref_slice %arg8[%mul3A_10, %dma_wait3A_19] : memref<10240x16xf32, #tpu.memory_space<vmem_shared>> -> memref<632x16xf32, #tpu.memory_space<vmem_shared>>
      tpu.wait_dma2 semaphore(%run_scoped3A : memref<!tpu.dma_semaphore, #tpu.memory_space<semaphore_mem>>) src(%dma_wait3A_20 : memref<632x16xf32, #tpu.memory_space<vmem_shared>>) dst(%dma_wait3A_18 : memref<632x16xf32, #tpu.memory_space<hbm>>)
      tpu.yield
    }) : () -> ()
    return
  }
}

#map = affine_map<(d0, d1) -> (0, 0)>
#map1 = affine_map<(d0, d1) -> (0, 0, 0)>
module attributes {stable_mosaic.version = 14 : i64} {
  func.func @_agg_kernel(%arg0: i32, %arg1: i32, %arg2: memref<10000x128xf32, #tpu.memory_space<hbm>>, %arg3: memref<32x80x128xi32, #tpu.memory_space<hbm>>, %arg4: memref<32x80x128xi32, #tpu.memory_space<hbm>>, %arg5: memref<640x128xf32, #tpu.memory_space<hbm>>, %arg6: memref<2x10112x128xf32, #tpu.memory_space<hbm>>, %arg7: memref<80x128xi32, #tpu.memory_space<vmem>>, %arg8: memref<80x128xi32, #tpu.memory_space<vmem>>, %arg9: memref<128x128xf32, #tpu.memory_space<vmem>>, %arg10: memref<!tpu.dma_semaphore, #tpu.memory_space<semaphore_mem>>, %arg11: memref<10240x128xf32, #tpu.memory_space<vmem_shared>>) attributes {dimension_semantics = [#tpu.dimension_semantics<core_parallel>, #tpu.dimension_semantics<subcore_parallel>], iteration_bounds = array<i64: 2, 16>, scalar_prefetch = 0 : i64, scratch_operands = 5 : i64, tpu.core_type = #tpu.core_type<sc_vector_subcore>, window_params = [{transform_indices = #map}, {transform_indices = #map1}, {transform_indices = #map1}, {transform_indices = #map}, {transform_indices = #map1}]} {
    %mul3A = arith.constant 2 : i32
    %mul3A_0 = arith.muli %arg1, %mul3A : i32
    %add3A = arith.addi %mul3A_0, %arg0 : i32
    "tpu.region"() ({
      %run_scoped3A = tpu.sem_alloc : memref<!tpu.dma_semaphore, #tpu.memory_space<semaphore_mem>>
      %dma_start3A = arith.constant 0 : i32
      %dma_start3A_13 = arith.constant 0 : i32
      %dma_start3A_14 = tpu.memref_slice %arg3[%add3A, %dma_start3A, %dma_start3A_13] : memref<32x80x128xi32, #tpu.memory_space<hbm>> -> memref<1x80x128xi32, #tpu.memory_space<hbm>>
      %dma_start3A_15 = tpu.memref_squeeze %dma_start3A_14 : memref<1x80x128xi32, #tpu.memory_space<hbm>> -> memref<80x128xi32, #tpu.memory_space<hbm>>
      %dma_start3A_16 = arith.constant 0 : i32
      %dma_start3A_17 = arith.constant 0 : i32
      %dma_start3A_18 = tpu.memref_slice %arg3[%add3A, %dma_start3A_16, %dma_start3A_17] : memref<32x80x128xi32, #tpu.memory_space<hbm>> -> memref<1x80x128xi32, #tpu.memory_space<hbm>>
      %dma_start3A_19 = tpu.memref_squeeze %dma_start3A_18 : memref<1x80x128xi32, #tpu.memory_space<hbm>> -> memref<80x128xi32, #tpu.memory_space<hbm>>
      tpu.enqueue_dma source(%dma_start3A_19 : memref<80x128xi32, #tpu.memory_space<hbm>>) target(%arg7 : memref<80x128xi32, #tpu.memory_space<vmem>>) target_semaphore(%run_scoped3A : memref<!tpu.dma_semaphore, #tpu.memory_space<semaphore_mem>>)
      %dma_wait3A = arith.constant 0 : i32
      %dma_wait3A_20 = arith.constant 0 : i32
      %dma_wait3A_21 = tpu.memref_slice %arg3[%add3A, %dma_wait3A, %dma_wait3A_20] : memref<32x80x128xi32, #tpu.memory_space<hbm>> -> memref<1x80x128xi32, #tpu.memory_space<hbm>>
      %dma_wait3A_22 = tpu.memref_squeeze %dma_wait3A_21 : memref<1x80x128xi32, #tpu.memory_space<hbm>> -> memref<80x128xi32, #tpu.memory_space<hbm>>
      %dma_wait3A_23 = arith.constant 0 : i32
      %dma_wait3A_24 = arith.constant 0 : i32
      %dma_wait3A_25 = tpu.memref_slice %arg3[%add3A, %dma_wait3A_23, %dma_wait3A_24] : memref<32x80x128xi32, #tpu.memory_space<hbm>> -> memref<1x80x128xi32, #tpu.memory_space<hbm>>
      %dma_wait3A_26 = tpu.memref_squeeze %dma_wait3A_25 : memref<1x80x128xi32, #tpu.memory_space<hbm>> -> memref<80x128xi32, #tpu.memory_space<hbm>>
      tpu.wait_dma2 semaphore(%run_scoped3A : memref<!tpu.dma_semaphore, #tpu.memory_space<semaphore_mem>>) src(%dma_wait3A_26 : memref<80x128xi32, #tpu.memory_space<hbm>>) dst(%arg7 : memref<80x128xi32, #tpu.memory_space<vmem>>)
      tpu.yield
    }) : () -> ()
    "tpu.region"() ({
      %run_scoped3A = tpu.sem_alloc : memref<!tpu.dma_semaphore, #tpu.memory_space<semaphore_mem>>
      %dma_start3A = arith.constant 0 : i32
      %dma_start3A_13 = arith.constant 0 : i32
      %dma_start3A_14 = tpu.memref_slice %arg4[%add3A, %dma_start3A, %dma_start3A_13] : memref<32x80x128xi32, #tpu.memory_space<hbm>> -> memref<1x80x128xi32, #tpu.memory_space<hbm>>
      %dma_start3A_15 = tpu.memref_squeeze %dma_start3A_14 : memref<1x80x128xi32, #tpu.memory_space<hbm>> -> memref<80x128xi32, #tpu.memory_space<hbm>>
      %dma_start3A_16 = arith.constant 0 : i32
      %dma_start3A_17 = arith.constant 0 : i32
      %dma_start3A_18 = tpu.memref_slice %arg4[%add3A, %dma_start3A_16, %dma_start3A_17] : memref<32x80x128xi32, #tpu.memory_space<hbm>> -> memref<1x80x128xi32, #tpu.memory_space<hbm>>
      %dma_start3A_19 = tpu.memref_squeeze %dma_start3A_18 : memref<1x80x128xi32, #tpu.memory_space<hbm>> -> memref<80x128xi32, #tpu.memory_space<hbm>>
      tpu.enqueue_dma source(%dma_start3A_19 : memref<80x128xi32, #tpu.memory_space<hbm>>) target(%arg8 : memref<80x128xi32, #tpu.memory_space<vmem>>) target_semaphore(%run_scoped3A : memref<!tpu.dma_semaphore, #tpu.memory_space<semaphore_mem>>)
      %dma_wait3A = arith.constant 0 : i32
      %dma_wait3A_20 = arith.constant 0 : i32
      %dma_wait3A_21 = tpu.memref_slice %arg4[%add3A, %dma_wait3A, %dma_wait3A_20] : memref<32x80x128xi32, #tpu.memory_space<hbm>> -> memref<1x80x128xi32, #tpu.memory_space<hbm>>
      %dma_wait3A_22 = tpu.memref_squeeze %dma_wait3A_21 : memref<1x80x128xi32, #tpu.memory_space<hbm>> -> memref<80x128xi32, #tpu.memory_space<hbm>>
      %dma_wait3A_23 = arith.constant 0 : i32
      %dma_wait3A_24 = arith.constant 0 : i32
      %dma_wait3A_25 = tpu.memref_slice %arg4[%add3A, %dma_wait3A_23, %dma_wait3A_24] : memref<32x80x128xi32, #tpu.memory_space<hbm>> -> memref<1x80x128xi32, #tpu.memory_space<hbm>>
      %dma_wait3A_26 = tpu.memref_squeeze %dma_wait3A_25 : memref<1x80x128xi32, #tpu.memory_space<hbm>> -> memref<80x128xi32, #tpu.memory_space<hbm>>
      tpu.wait_dma2 semaphore(%run_scoped3A : memref<!tpu.dma_semaphore, #tpu.memory_space<semaphore_mem>>) src(%dma_wait3A_26 : memref<80x128xi32, #tpu.memory_space<hbm>>) dst(%arg8 : memref<80x128xi32, #tpu.memory_space<vmem>>)
      tpu.yield
    }) : () -> ()
    %mul3A_1 = arith.constant 640 : i32
    %mul3A_2 = arith.muli %arg1, %mul3A_1 : i32
    "tpu.region"() ({
      %run_scoped3A = tpu.sem_alloc : memref<!tpu.dma_semaphore, #tpu.memory_space<semaphore_mem>>
      %dma_start3A = arith.constant 0 : i32
      %dma_start3A_13 = tpu.memref_slice %arg11[%mul3A_2, %dma_start3A] : memref<10240x128xf32, #tpu.memory_space<vmem_shared>> -> memref<640x128xf32, #tpu.memory_space<vmem_shared>>
      tpu.enqueue_dma source(%arg5 : memref<640x128xf32, #tpu.memory_space<hbm>>) target(%dma_start3A_13 : memref<640x128xf32, #tpu.memory_space<vmem_shared>>) target_semaphore(%run_scoped3A : memref<!tpu.dma_semaphore, #tpu.memory_space<semaphore_mem>>)
      %dma_wait3A = arith.constant 0 : i32
      %dma_wait3A_14 = tpu.memref_slice %arg11[%mul3A_2, %dma_wait3A] : memref<10240x128xf32, #tpu.memory_space<vmem_shared>> -> memref<640x128xf32, #tpu.memory_space<vmem_shared>>
      tpu.wait_dma2 semaphore(%run_scoped3A : memref<!tpu.dma_semaphore, #tpu.memory_space<semaphore_mem>>) src(%arg5 : memref<640x128xf32, #tpu.memory_space<hbm>>) dst(%dma_wait3A_14 : memref<640x128xf32, #tpu.memory_space<vmem_shared>>)
      tpu.yield
    }) : () -> ()
    %barrier3A = arith.constant 0 : index
    tpu.barrier barrier_id(%barrier3A)
    %scan3A = arith.constant 0 : i32
    %scan3A_3 = arith.constant 0 : i32
    %scan3A_4 = arith.constant 80 : i32
    %scan3A_5 = arith.addi %scan3A_3, %scan3A_4 : i32
    %scan3A_6 = arith.constant 1 : i32
    scf.for %scan3A_13 = %scan3A_3 to %scan3A_5 step %scan3A_6  : i32 {
      %dma_start3A = arith.constant 0 : i32
      %dma_start3A_14 = tpu.memref_slice %arg7[%scan3A_13, %dma_start3A] : memref<80x128xi32, #tpu.memory_space<vmem>> -> memref<1x128xi32, #tpu.memory_space<vmem>>
      %dma_start3A_15 = tpu.memref_squeeze %dma_start3A_14 : memref<1x128xi32, #tpu.memory_space<vmem>> -> memref<128xi32, #tpu.memory_space<vmem>>
      %dma_start3A_16 = arith.constant 0 : i32
      %dma_start3A_17 = arith.constant 0 : i32
      %dma_start3A_18 = tpu.memref_slice %arg2[%dma_start3A_16, %dma_start3A_17] : memref<10000x128xf32, #tpu.memory_space<hbm>> -> memref<10000x128xf32, #tpu.memory_space<hbm>>
      tpu.enqueue_indirect_dma source(%dma_start3A_18 : memref<10000x128xf32, #tpu.memory_space<hbm>>) target(%arg9 : memref<128x128xf32, #tpu.memory_space<vmem>>) offsets(%dma_start3A_15 : memref<128xi32, #tpu.memory_space<vmem>>) semaphore(%arg10 : memref<!tpu.dma_semaphore, #tpu.memory_space<semaphore_mem>>)
      %dma_wait3A = arith.constant 0 : i32
      %dma_wait3A_19 = tpu.memref_slice %arg7[%scan3A_13, %dma_wait3A] : memref<80x128xi32, #tpu.memory_space<vmem>> -> memref<1x128xi32, #tpu.memory_space<vmem>>
      %dma_wait3A_20 = tpu.memref_squeeze %dma_wait3A_19 : memref<1x128xi32, #tpu.memory_space<vmem>> -> memref<128xi32, #tpu.memory_space<vmem>>
      %dma_wait3A_21 = arith.constant 0 : i32
      %dma_wait3A_22 = arith.constant 0 : i32
      %dma_wait3A_23 = tpu.memref_slice %arg2[%dma_wait3A_21, %dma_wait3A_22] : memref<10000x128xf32, #tpu.memory_space<hbm>> -> memref<10000x128xf32, #tpu.memory_space<hbm>>
      tpu.wait_indirect_dma semaphore(%arg10 : memref<!tpu.dma_semaphore, #tpu.memory_space<semaphore_mem>>) src(%dma_wait3A_23 : memref<10000x128xf32, #tpu.memory_space<hbm>>) dst(%arg9 : memref<128x128xf32, #tpu.memory_space<vmem>>)
      "tpu.region"() ({
        %run_scoped3A = tpu.sem_alloc : memref<!tpu.dma_semaphore, #tpu.memory_space<semaphore_mem>>
        %dma_start3A_24 = arith.constant 0 : i32
        %dma_start3A_25 = tpu.memref_slice %arg8[%scan3A_13, %dma_start3A_24] : memref<80x128xi32, #tpu.memory_space<vmem>> -> memref<1x128xi32, #tpu.memory_space<vmem>>
        %dma_start3A_26 = tpu.memref_squeeze %dma_start3A_25 : memref<1x128xi32, #tpu.memory_space<vmem>> -> memref<128xi32, #tpu.memory_space<vmem>>
        %dma_start3A_27 = arith.constant 0 : i32
        %dma_start3A_28 = arith.constant 0 : i32
        %dma_start3A_29 = tpu.memref_slice %arg11[%dma_start3A_27, %dma_start3A_28] : memref<10240x128xf32, #tpu.memory_space<vmem_shared>> -> memref<10240x128xf32, #tpu.memory_space<vmem_shared>>
        tpu.enqueue_indirect_dma source(%arg9 : memref<128x128xf32, #tpu.memory_space<vmem>>) target(%dma_start3A_29 : memref<10240x128xf32, #tpu.memory_space<vmem_shared>>) offsets(%dma_start3A_26 : memref<128xi32, #tpu.memory_space<vmem>>) semaphore(%run_scoped3A : memref<!tpu.dma_semaphore, #tpu.memory_space<semaphore_mem>>) {add = true}
        %dma_wait3A_30 = arith.constant 0 : i32
        %dma_wait3A_31 = tpu.memref_slice %arg8[%scan3A_13, %dma_wait3A_30] : memref<80x128xi32, #tpu.memory_space<vmem>> -> memref<1x128xi32, #tpu.memory_space<vmem>>
        %dma_wait3A_32 = tpu.memref_squeeze %dma_wait3A_31 : memref<1x128xi32, #tpu.memory_space<vmem>> -> memref<128xi32, #tpu.memory_space<vmem>>
        %dma_wait3A_33 = arith.constant 0 : i32
        %dma_wait3A_34 = arith.constant 0 : i32
        %dma_wait3A_35 = tpu.memref_slice %arg11[%dma_wait3A_33, %dma_wait3A_34] : memref<10240x128xf32, #tpu.memory_space<vmem_shared>> -> memref<10240x128xf32, #tpu.memory_space<vmem_shared>>
        tpu.wait_indirect_dma semaphore(%run_scoped3A : memref<!tpu.dma_semaphore, #tpu.memory_space<semaphore_mem>>) src(%arg9 : memref<128x128xf32, #tpu.memory_space<vmem>>) dst(%dma_wait3A_35 : memref<10240x128xf32, #tpu.memory_space<vmem_shared>>)
        tpu.yield
      }) : () -> ()
    }
    %scan3A_7 = arith.constant 80 : i32
    %barrier3A_8 = arith.constant 0 : index
    tpu.barrier barrier_id(%barrier3A_8)
    %mul3A_9 = arith.constant 632 : i32
    %mul3A_10 = arith.muli %arg1, %mul3A_9 : i32
    %mul3A_11 = arith.constant 632 : i32
    %mul3A_12 = arith.muli %arg1, %mul3A_11 : i32
    "tpu.region"() ({
      %run_scoped3A = tpu.sem_alloc : memref<!tpu.dma_semaphore, #tpu.memory_space<semaphore_mem>>
      %dma_start3A = arith.constant 0 : i32
      %dma_start3A_13 = tpu.memref_slice %arg6[%arg0, %mul3A_12, %dma_start3A] : memref<2x10112x128xf32, #tpu.memory_space<hbm>> -> memref<1x632x128xf32, #tpu.memory_space<hbm>>
      %dma_start3A_14 = tpu.memref_squeeze %dma_start3A_13 : memref<1x632x128xf32, #tpu.memory_space<hbm>> -> memref<632x128xf32, #tpu.memory_space<hbm>>
      %dma_start3A_15 = arith.constant 0 : i32
      %dma_start3A_16 = tpu.memref_slice %arg11[%mul3A_10, %dma_start3A_15] : memref<10240x128xf32, #tpu.memory_space<vmem_shared>> -> memref<632x128xf32, #tpu.memory_space<vmem_shared>>
      tpu.enqueue_dma source(%dma_start3A_16 : memref<632x128xf32, #tpu.memory_space<vmem_shared>>) target(%dma_start3A_14 : memref<632x128xf32, #tpu.memory_space<hbm>>) target_semaphore(%run_scoped3A : memref<!tpu.dma_semaphore, #tpu.memory_space<semaphore_mem>>)
      %dma_wait3A = arith.constant 0 : i32
      %dma_wait3A_17 = tpu.memref_slice %arg6[%arg0, %mul3A_12, %dma_wait3A] : memref<2x10112x128xf32, #tpu.memory_space<hbm>> -> memref<1x632x128xf32, #tpu.memory_space<hbm>>
      %dma_wait3A_18 = tpu.memref_squeeze %dma_wait3A_17 : memref<1x632x128xf32, #tpu.memory_space<hbm>> -> memref<632x128xf32, #tpu.memory_space<hbm>>
      %dma_wait3A_19 = arith.constant 0 : i32
      %dma_wait3A_20 = tpu.memref_slice %arg11[%mul3A_10, %dma_wait3A_19] : memref<10240x128xf32, #tpu.memory_space<vmem_shared>> -> memref<632x128xf32, #tpu.memory_space<vmem_shared>>
      tpu.wait_dma2 semaphore(%run_scoped3A : memref<!tpu.dma_semaphore, #tpu.memory_space<semaphore_mem>>) src(%dma_wait3A_20 : memref<632x128xf32, #tpu.memory_space<vmem_shared>>) dst(%dma_wait3A_18 : memref<632x128xf32, #tpu.memory_space<hbm>>)
      tpu.yield
    }) : () -> ()
    return
  }
}

module attributes {stable_mosaic.version = 14 : i64} {
  func.func @_transform_body(%arg0: memref<2x10000x16xf32, #tpu.memory_space<vmem>>, %arg1: memref<10000x128xf32, #tpu.memory_space<vmem>>, %arg2: memref<128x128xf32, #tpu.memory_space<vmem>>, %arg3: memref<10000x128xf32, #tpu.memory_space<vmem>>, %arg4: memref<10000x1xf32, #tpu.memory_space<vmem>>) attributes {dimension_semantics = [], scalar_prefetch = 0 : i64, scratch_operands = 0 : i64, tpu.core_type = #tpu.core_type<tc>} {
    %get3A = arith.constant 0 : index
    %get3A_0 = arith.constant 0 : index
    %get3A_1 = arith.constant 0 : index
    %get3A_2 = vector.load %arg0[%get3A, %get3A_0, %get3A_1] : memref<2x10000x16xf32, #tpu.memory_space<vmem>>, vector<1x10000x1xf32>
    %get3A_3 = vector.shape_cast %get3A_2 : vector<1x10000x1xf32> to vector<10000x1xf32>
    %get3A_4 = arith.constant 1 : index
    %get3A_5 = arith.constant 0 : index
    %get3A_6 = arith.constant 0 : index
    %get3A_7 = vector.load %arg0[%get3A_4, %get3A_5, %get3A_6] : memref<2x10000x16xf32, #tpu.memory_space<vmem>>, vector<1x10000x1xf32>
    %get3A_8 = vector.shape_cast %get3A_7 : vector<1x10000x1xf32> to vector<10000x1xf32>
    %add3A = arith.addf %get3A_3, %get3A_8 : vector<10000x1xf32>
    %add3A_9 = arith.constant 1.000000e+00 : f32
    %add3A_10 = vector.broadcast %add3A_9 : f32 to vector<10000x1xf32>
    %add3A_11 = arith.addf %add3A, %add3A_10 : vector<10000x1xf32>
    %rsqrt3A = math.rsqrt %add3A_11 : vector<10000x1xf32>
    %get3A_12 = arith.constant 0 : index
    %get3A_13 = arith.constant 0 : index
    %get3A_14 = vector.load %arg1[%get3A_12, %get3A_13] : memref<10000x128xf32, #tpu.memory_space<vmem>>, vector<10000x128xf32>
    %get3A_15 = arith.constant 0 : index
    %get3A_16 = arith.constant 0 : index
    %get3A_17 = vector.load %arg2[%get3A_15, %get3A_16] : memref<128x128xf32, #tpu.memory_space<vmem>>, vector<128x128xf32>
    %dot_general3A = arith.constant dense<0.000000e+00> : vector<10000x128xf32>
    %dot_general3A_18 = tpu.matmul %get3A_14, %get3A_17, %dot_general3A {dimension_numbers = #tpu.dot_dimension_numbers<[1], [0], [0], [1], [0, 0, 1, 1], [], []>, transpose_lhs_hint = false} : vector<10000x128xf32>, vector<128x128xf32>, vector<10000x128xf32> -> vector<10000x128xf32>
    %mul3A = vector.broadcast %rsqrt3A : vector<10000x1xf32> to vector<10000x128xf32>
    %mul3A_19 = arith.mulf %dot_general3A_18, %mul3A : vector<10000x128xf32>
    %swap3A = arith.constant 0 : index
    %swap3A_20 = arith.constant 0 : index
    %swap3A_21 = vector.load %arg3[%swap3A, %swap3A_20] : memref<10000x128xf32, #tpu.memory_space<vmem>>, vector<10000x128xf32>
    tpu.vector_store %arg3[%swap3A, %swap3A_20], %mul3A_19 {strides = array<i32>} : memref<10000x128xf32, #tpu.memory_space<vmem>>, vector<10000x128xf32>,
    %swap3A_22 = arith.constant 0 : index
    %swap3A_23 = arith.constant 0 : index
    %swap3A_24 = vector.load %arg4[%swap3A_22, %swap3A_23] : memref<10000x1xf32, #tpu.memory_space<vmem>>, vector<10000x1xf32>
    tpu.vector_store %arg4[%swap3A_22, %swap3A_23], %rsqrt3A {strides = array<i32>} : memref<10000x1xf32, #tpu.memory_space<vmem>>, vector<10000x1xf32>,
    return
  }
}

module attributes {stable_mosaic.version = 14 : i64} {
  func.func @_finish_body(%arg0: memref<2x10000x128xf32, #tpu.memory_space<vmem>>, %arg1: memref<10000x128xf32, #tpu.memory_space<vmem>>, %arg2: memref<10000x1xf32, #tpu.memory_space<vmem>>, %arg3: memref<1x128xf32, #tpu.memory_space<vmem>>, %arg4: memref<10000x128xf32, #tpu.memory_space<vmem>>) attributes {dimension_semantics = [], scalar_prefetch = 0 : i64, scratch_operands = 0 : i64, tpu.core_type = #tpu.core_type<tc>} {
    %get3A = arith.constant 0 : index
    %get3A_0 = arith.constant 0 : index
    %get3A_1 = arith.constant 0 : index
    %get3A_2 = vector.load %arg0[%get3A, %get3A_0, %get3A_1] : memref<2x10000x128xf32, #tpu.memory_space<vmem>>, vector<1x10000x128xf32>
    %get3A_3 = vector.shape_cast %get3A_2 : vector<1x10000x128xf32> to vector<10000x128xf32>
    %get3A_4 = arith.constant 1 : index
    %get3A_5 = arith.constant 0 : index
    %get3A_6 = arith.constant 0 : index
    %get3A_7 = vector.load %arg0[%get3A_4, %get3A_5, %get3A_6] : memref<2x10000x128xf32, #tpu.memory_space<vmem>>, vector<1x10000x128xf32>
    %get3A_8 = vector.shape_cast %get3A_7 : vector<1x10000x128xf32> to vector<10000x128xf32>
    %add3A = arith.addf %get3A_3, %get3A_8 : vector<10000x128xf32>
    %get3A_9 = arith.constant 0 : index
    %get3A_10 = arith.constant 0 : index
    %get3A_11 = vector.load %arg1[%get3A_9, %get3A_10] : memref<10000x128xf32, #tpu.memory_space<vmem>>, vector<10000x128xf32>
    %add3A_12 = arith.addf %add3A, %get3A_11 : vector<10000x128xf32>
    %get3A_13 = arith.constant 0 : index
    %get3A_14 = arith.constant 0 : index
    %get3A_15 = vector.load %arg2[%get3A_13, %get3A_14] : memref<10000x1xf32, #tpu.memory_space<vmem>>, vector<10000x1xf32>
    %mul3A = vector.broadcast %get3A_15 : vector<10000x1xf32> to vector<10000x128xf32>
    %mul3A_16 = arith.mulf %add3A_12, %mul3A : vector<10000x128xf32>
    %get3A_17 = arith.constant 0 : index
    %get3A_18 = arith.constant 0 : index
    %get3A_19 = vector.load %arg3[%get3A_17, %get3A_18] : memref<1x128xf32, #tpu.memory_space<vmem>>, vector<1x128xf32>
    %add3A_20 = vector.broadcast %get3A_19 : vector<1x128xf32> to vector<10000x128xf32>
    %add3A_21 = arith.addf %mul3A_16, %add3A_20 : vector<10000x128xf32>
    %swap3A = arith.constant 0 : index
    %swap3A_22 = arith.constant 0 : index
    %swap3A_23 = vector.load %arg4[%swap3A, %swap3A_22] : memref<10000x128xf32, #tpu.memory_space<vmem>>, vector<10000x128xf32>
    tpu.vector_store %arg4[%swap3A, %swap3A_22], %add3A_21 {strides = array<i32>} : memref<10000x128xf32, #tpu.memory_space<vmem>>, vector<10000x128xf32>,
    return
  }
}

</mosaic_0001>

<sc_bundles>
// kernel: kernel.6.cloned.1.call-start
scs
__scs_entry_jumppad:
0x0: {  	(pc) =	sbr.rel $0x88, $3  }
0x1: {  	(tag) =	ssettag $0x0;
	lr =	simm.s32 $0x1  }
0x2: {  	[smem:$0x3F9D] =	sst lr;
	_ =	strace $0xD0000000  }
0x3: {  	_ = 	snop  }
0x4: {  	_ = 	snop  }
0x5: {  	_ = 	snop  }
0x6: {  	_ = 	snop  }
0x7: {  	_ = 	snop  }
__scs_overlays_trampoline_lowered:
0x8: {  	[smem:$0x3FAC] =	sst s0  }
0x9: {  	[smem:$0x3FAD] =	sst s1  }
0xa: {  	[smem:$0x3FAE] =	sst s2  }
0xb: {  	[smem:$0x3FAF] =	sst s3  }
0xc: {  	[smem:$0x3FB0] =	sst s4  }
0xd: {  	[smem:$0x3FB1] =	sst s5  }
0xe: {  	[smem:$0x3FB2] =	sst s6  }
0xf: {  	[smem:$0x3FB3] =	sst s7  }
0x10: {  	[smem:$0x3FB4] =	sst s8  }
0x11: {  	[smem:$0x3FB5] =	sst s9;
	s0 =	simm.s32 @!p0 $0x0  }
0x12: {  	s1 =	sld [smem:$0x3F9B];
	s0 =	simm.s32 @p0 $0x1  }
0x13: {  	[smem:$0x3FB6] =	sst s0;
	s0 =	simm.s32 @!p1 $0x0  }
0x14: {  	s2 =	sld [smem:$0x3F9A];
	s0 =	simm.s32 @p1 $0x1  }
0x15: {  	[smem:$0x3FB7] =	sst s0;
	s0 =	simm.s32 @!p2 $0x0  }
0x16: {  	s3 =	sld [smem:$0x3FDB];
	s0 =	simm.s32 @p2 $0x1  }
0x17: {  	s4 =	simm.s32 $0x1BF5;
	[smem:$0x3FB9] =	sst s0  }
0x18: {  	s0 =	sld [smem:$0x3F9C];
	_ =	swait.ge [sflag:s4], $0x0  }
0x19: {  	s7 =	sld [smem:$0x3F9D]  }
0x1a: {  	s8 =	sadd.s32 $0xFFFFE003, lr  }
0x1b: {  	s9 =	sadd.s32 $0xFFFFFEF7, lr;
	s5 =	simm.s32 $0xFFFFFFFF;
	p2 =	slt.u32 s8, $0xFFFFF086  }
0x1c: {  	p1 =	slt.u32 s9, $0xF7A;
	s5 =	simm.s32 @!p2 $0x0  }
0x1d: {  	s5 =	simm.s32 @p1 $0x1;
	p0 =	seq.s32 s7, s2  }
0x1e: {  	s7 =	smul.u32 @!p0 $0xF7A, s2;
	p2 =	seq.s32 @!p0 s5, $0x0  }
0x1f: {  	s9 =	smul.u32 $0xF7A, s1;
	s8 =	simm.s32 @!p0 $0x1BF5;
	p2 =	por !p2, p0  }
0x20: {  	[sflag:s8] =	ssyncset.s32 @!p0 $0xFFFFF086;
	s6 =	sadd.s32 @!p0 s3, s7;
	s7 =	simm.s32 @!p0 $0x108  }
0x21: {  	s3 =	sadd.s32 s3, s9;
	s6 =	sadd.s32 @!p0 $0x88, s6;
	s7 =	simm.s32 @p2 $0x1082  }
0x22: {  	[simem:s7], [sflag:s8] =	dma.local @!p0 [hbm:s6], $0xF7A  }
0x23: {  	s9 =	sor.u32 $0xD0000000, s2;
	s6 =	simm.s32 $0x108;
	_ =	swait.ge @!p0 [sflag:s8], $0x0  }
0x24: {  	s3 =	sadd.s32 $0x88, s3;
	s6 =	simm.s32 @!p1 $0x1082;
	[sflag:s4] =	ssyncset.s32 $0xFFFFF086  }
0x25: {  	[simem:s6], [sflag:s4] =	dma.local [hbm:s3], $0xF7A  }
0x26: {  	[smem:$0x3F9D] =	sst s1;
	(tag) =	ssettag s2;
	_ =	strace s9  }
0x27: {  	s1 =	sld [smem:$0x3FAD]  }
0x28: {  	s2 =	sld [smem:$0x3FAE]  }
0x29: {  	s4 =	sld [smem:$0x3FB0]  }
0x2a: {  	p0 =	seq.s32 s5, $0x0;
	s5 =	sld [smem:$0x3FB1]  }
0x2b: {  	s6 =	sld [smem:$0x3FB2]  }
0x2c: {  	s7 =	sld [smem:$0x3FB3]  }
0x2d: {  	s3 =	simm.s32 $0x108;
	s8 =	sld [smem:$0x3FB4]  }
0x2e: {  	s3 =	simm.s32 @!p0 $0x1082;
	s9 =	sld [smem:$0x3FB5]  }
0x2f: {  	lr =	sadd.s32 s0, s3;
	s0 =	sld [smem:$0x3FAC]  }
0x30: {  	s3 =	sld [smem:$0x3FAF]  }
0x31: {  	[smem:$0x3FB8] =	sst s10  }
0x32: {  	s10 =	sld [smem:$0x3FB6];
	_ =	sdelay $0x3  }
0x33: {  	p0 =	seq.s32 s10, $0x1;
	s10 =	sld [smem:$0x3FB8];
	_ =	sdelay $0x3  }
0x34: {  	[smem:$0x3FB8] =	sst s10  }
0x35: {  	s10 =	sld [smem:$0x3FB7];
	_ =	sdelay $0x3  }
0x36: {  	p1 =	seq.s32 s10, $0x1;
	s10 =	sld [smem:$0x3FB8];
	_ =	sdelay $0x3  }
0x37: {  	[smem:$0x3FB8] =	sst s10  }
0x38: {  	s10 =	sld [smem:$0x3FB9]  }
0x39: {  	_ = 	snop;
	(pc) =	sbr.ind lr, $3  }
0x3a: {  	_ = 	snop  }
0x3b: {  	_ = 	snop  }
0x3c: {  	p2 =	seq.s32 s10, $0x1;
	s10 =	sld [smem:$0x3FB8]  }
0x3d: {  	_ =	shalt  }
0x3e: {  	_ =	shalt  }
0x3f: {  	_ =	shalt  }
0x40: {  	_ =	shalt  }
0x41: {  	_ =	shalt  }
0x42: {  	_ =	shalt  }
0x43: {  	_ =	shalt  }
0x44: {  	_ =	shalt  }
0x45: {  	_ =	shalt  }
0x46: {  	_ =	shalt  }
0x47: {  	_ =	shalt  }
0x48: {  	_ =	shalt  }
0x49: {  	_ =	shalt  }
0x4a: {  	_ =	shalt  }
0x4b: {  	_ =	shalt  }
0x4c: {  	_ =	shalt  }
0x4d: {  	_ =	shalt  }
0x4e: {  	_ =	shalt  }
0x4f: {  	_ =	shalt  }
0x50: {  	_ =	shalt  }
0x51: {  	_ =	shalt  }
0x52: {  	_ =	shalt  }
0x53: {  	_ =	shalt  }
0x54: {  	_ =	shalt  }
0x55: {  	_ =	shalt  }
0x56: {  	_ =	shalt  }
0x57: {  	_ =	shalt  }
0x58: {  	_ =	shalt  }
0x59: {  	_ =	shalt  }
0x5a: {  	_ =	shalt  }
0x5b: {  	_ =	shalt  }
0x5c: {  	_ =	shalt  }
0x5d: {  	_ =	shalt  }
0x5e: {  	_ =	shalt  }
0x5f: {  	_ =	shalt  }
0x60: {  	_ =	shalt  }
0x61: {  	_ =	shalt  }
0x62: {  	_ =	shalt  }
0x63: {  	_ =	shalt  }
0x64: {  	_ =	shalt  }
0x65: {  	_ =	shalt  }
0x66: {  	_ =	shalt  }
0x67: {  	_ =	shalt  }
0x68: {  	_ =	shalt  }
0x69: {  	_ =	shalt  }
0x6a: {  	_ =	shalt  }
0x6b: {  	_ =	shalt  }
0x6c: {  	_ =	shalt  }
0x6d: {  	_ =	shalt  }
0x6e: {  	_ =	shalt  }
0x6f: {  	_ =	shalt  }
0x70: {  	_ =	shalt  }
0x71: {  	_ =	shalt  }
0x72: {  	_ =	shalt  }
0x73: {  	_ =	shalt  }
0x74: {  	_ =	shalt  }
0x75: {  	_ =	shalt  }
0x76: {  	_ =	shalt  }
0x77: {  	_ =	shalt  }
0x78: {  	_ =	shalt  }
0x79: {  	_ =	shalt  }
0x7a: {  	_ =	shalt  }
0x7b: {  	_ =	shalt  }
0x7c: {  	_ =	shalt  }
0x7d: {  	_ =	shalt  }
0x7e: {  	_ =	shalt  }
0x7f: {  	_ =	shalt  }
0x80: {  	_ =	shalt  }
0x81: {  	_ =	shalt  }
0x82: {  	_ =	shalt  }
0x83: {  	_ =	shalt  }
0x84: {  	_ =	shalt  }
0x85: {  	_ =	shalt  }
0x86: {  	_ =	shalt  }
0x87: {  	_ =	shalt  }
.Lfunc_end0:
.L_simem_size_0:
called_computation_lowered:
.L_overlay_start_0:
0x88: {  	s2 =	sld [smem:$0x3FD9]  }
0x89: {  	s3 =	sld [smem:$0x3FFE];
	_ =	sdelay $0x1  }
0x8a: {  	s1 =	srdreg.scid  }
0x8b: {  	s0 =	sand.u32 $0x1, s1  }
0x8c: {  	s17 =	sshll.u32 s0, $0xA;
	s2 =	sadd.s32 s3, s2  }
0x8d: {  	s2 =	sadd.s32 s2, s17  }
0x8e: {  	[smem:$0x3FC4] =	sst s2  }
0x8f: {  	_ = 	snop  }
0x90: {  	s2 =	sld [smem:$0x3FD0];
	(tm) =	ssettm $0x1  }
0x91: {  	s18 =	sld [smem:$0x3FFB];
	_ =	sdelay $0x3  }
0x92: {  	_ =	strace s18  }
0x93: {  	s3 =	sld [smem:$0x3FFC];
	_ =	sdelay $0x3  }
0x94: {  	_ =	strace s3  }
0x95: {  	s3 =	sld [smem:$0x3FFD];
	_ =	sdelay $0x3  }
0x96: {  	_ =	strace s3  }
0x97: {  	_ =	strace $0x8FFFFFFF  }
0x98: {  	s19 =	sld [smem:$0x3FDB];
	_ =	sdelay $0x1  }
0x99: {  	s4 =	simm.s32 $_scs_section_size  }
0x9a: {  	s5 =	simm.s32 $_size__tile_overlayer_lowered;
	s6 =	simm.s32 $_tile_overlayer_lowered  }
0x9b: {  	s22 =	simm.s32 $0x1BFF;
	s21 =	sshll.u32 s6, $0x1;
	s3 =	sadd.s32 s4, s19  }
0x9c: {  	s7 =	simm.s32 $0x0;
	s20 =	sshll.u32 s5, $0x1;
	s5 =	sadd.s32 s21, s3  }
0x9d: {  	[timem:s7], [sflag:s22] =	dma.local [hbm:s5], s20  }
0x9e: {  	_ =	swait.ge [sflag:s22], s20  }
0x9f: {  	s4 =	ssub.s32 $0x0, s20;
	[sflag:s22] =	ssyncset.done $0x0  }
0xa0: {  	[sflag:s22] =	ssyncadd.s32 s4;
	_ =	sdelay $0x1  }
0xa1: {  	s23 =	simm.s32 $0x1B8B  }
0xa2: {  	_ =	swait.ge [sflag:s23], $0x1  }
0xa3: {  	[sflag:s23] =	ssyncset.done $0x0  }
0xa4: {  	s25 =	simm.s32 $0x1B8E;
	s24 =	sld [smem:$0x3FFE];
	[sflag:s23] =	ssyncadd.s32 $0xFFFFFFFF  }
0xa5: {  	s26 =	simm.s32 $execute0_lowered;
	[smem:$0x3FD2] =	sst s25  }
0xa6: {  	s5 =	sshll.u32 s26, $0x1;
	_ =	strace $0x80000046;
	[dreg:$0x1] =	wrdreg $0xFFFFFFFF  }
0xa7: {  	s28 =	simm.s32 $_size_execute0_lowered;
	s3 =	sadd.s32 s3, s5;
	[dreg:$0x0] =	wrdreg $0x0  }
0xa8: {  	s5 =	sshll.u32 s28, $0x1;
	[dreg:$0x2] =	wrdreg s3  }
0xa9: {  	[dreg:$0x3] =	wrdreg s5  }
0xaa: {  	[dreg:$0x4] =	wrdreg $0xC0  }
0xab: {  	_ =	task [dreg:s7], $0x5FFFF  }
0xac: {  	[dreg:$0x1] =	wrdreg $0xFFFFFFFF  }
0xad: {  	[dreg:$0x0] =	wrdreg $0x60  }
0xae: {  	[dreg:$0x2] =	wrdreg s24  }
0xaf: {  	[dreg:$0x3] =	wrdreg s2  }
0xb0: {  	[dreg:$0x4] =	wrdreg $0x68000  }
0xb1: {  	[dreg:$0x5] =	wrdreg $0x9  }
0xb2: {  	_ =	task.clear_ibuf [dreg:s7], $0x6FFFF;
	_ =	strace $0x90000046  }
0xb3: {  	s29 =	simm.s32 $0x9;
	_ =	strace $0x80000048  }
0xb4: {  	_ =	swait.ge [sflag:s29], $0x1  }
0xb5: {  	[sflag:s29] =	ssyncadd.s32 $0xFFFFFFFF  }
0xb6: {  	_ =	strace $0x90000048  }
0xb7: {  	_ =	sfence  }
0xb8: {  	s30 =	sld [smem:$0x0];
	_ =	sdelay $0x2  }
0xb9: {  	s31 =	sshll.u32 s1, $0xD;
	s1 =	sshrl.u32 s1, $0x2  }
0xba: {  	s3 =	sand.u32 $0x4000, s31;
	s1 =	sadd.s32 s1, s30  }
0xbb: {  	s0 =	sor.u32 s3, s0;
	s1 =	sshll.u32 s1, $0x11  }
0xbc: {  	s0 =	sor.u32 s1, s0  }
0xbd: {  	s0 =	sadd.s32 $0x8F2B, s0  }
0xbe: {  	[sflag:s0] =	ssyncadd.remote.s32 $0x1  }
0xbf: {  	_ =	sfence.sel $0xFFFF  }
0xc0: {  	[dreg:$0x0] =	wrdreg $0xFFFFFFFF;
	(pc) =	sbr.abs _section_cstart, $3  }
0xc1: {  	[dreg:$0x1] =	wrdreg $0xFFFFFFFF  }
0xc2: {  	_ =	task.clear_ibuf [dreg:s7], $0x2FFFF;
	_ =	strace $0x9FFFFFFF  }
0xc3: {  	(tm) =	ssettm $0x7FFFFFFF  }
tec
execute0_lowered:
.L_overlay_start_1:
0x0: {  	(tag) =	ssettag $0x1  }
0x1: {  	s1 =	srdreg.scid;
	s6 =	rddreg [dreg:$0x0]  }
0x2: {  	s0 =	stileid.u32;
	s2 =	rddreg [dreg:$0x1]  }
0x3: {  	s3 =	rddreg [dreg:$0x2];
	s4 =	simm.s32 $0x0;
	s13 =	simm.s32 $0x80  }
0x4: {  	s15 =	simm.s32 $0x0;
	s5 =	sand.u32 $0x1, s1;
	s9 =	smul.u32 $0x13C00, s0  }
0x5: {  	s25 =	sshll.u32 s0, $0x1;
	[smem:$0x7FF] =	sst s4;
	s10 =	smul.u32 $0x50000, s0  }
0x6: {  	s12 =	smul.u32 $0x4F000, s0;
	s31 =	sshll.u32 s0, $0x6;
	s1 =	sor.u32 s5, s25  }
0x7: {  	s8 =	smul.u32 $0x13C000, s5;
	s26 =	ssub.s32 $0x2, s5;
	s5 =	sadd.s32 $0xB200, s6  }
0x8: {  	s7 =	smul.u32 $0x500, s1;
	s1 =	rddreg [dreg:$0x3];
	_ =	strace $0x80000047  }
0x9: {  	s11 =	sshrl.u32 s26, $0x1;
	s28 =	sshrl.u32 s10, $0x2;
	s29 =	sshrl.u32 s12, $0x2  }
0xa: {  	s10 =	sor.u32 $0x1C01, s31;
	s12 =	simm.s32 $0x2800;
	s8 =	sadd.s32 s9, s8  }
0xb: {  	s9 =	ssub.s32 s26, s11;
	s30 =	sadd.s32 s28, s3;
	s14 =	sadd.s32 s29, s3  }
0xc: {  	s7 =	sadd.s32 s7, s6;
	s8 =	sshrl.u32 s8, $0x3;
	s11 =	sshrl.u32 s30, $0x3  }
0xd: {  	s14 =	sshrl.u32 s14, $0x3;
	s8 =	sadd.s32 s8, s6;
	s6 =	sadd.s32 $0x1200, s7  }
0xe: {  	s7 =	sadd.s32 $0xBA00, s8;
	s8 =	smax.u32 s9, $0x1;
	s9 =	simm.s32 $0x1  }
.LBB2_1:
0xf: {  	[tilespmem:s4], [sflag:$0x1] =	stream.linear.gather [hbm4b:s6+s4], $0x2800, $0x38;
	[tilespmem:$0x9000] =	vst v63  }
0x10: {  	_ =	swait.ge [sflag:s9], $0x2800  }
0x11: {  	[sflag:s9] =	ssyncset.done $0x0  }
0x12: {  	[sflag:s9] =	ssyncadd.s32 $0xFFFFD800  }
0x13: {  	[spmem:s11], [sflag:s10] =	dma.local [hbm:s2], $0x2800  }
0x14: {  	_ =	swait.ge [sflag:s9], $0x2800  }
0x15: {  	[sflag:s9] =	ssyncset.done $0x0  }
0x16: {  	[sflag:s9] =	ssyncadd.s32 $0xFFFFD800  }
0x17: {  	[tilespmem:s12], [sflag:$0x1] =	stream.linear.gather [hbm4b:s5+s4], $0x4000, $0x38;
	[tilespmem:$0x9000] =	vst v63  }
0x18: {  	_ =	swait.ge [sflag:s9], $0x4000  }
0x19: {  	[sflag:s9] =	ssyncset.done $0x0  }
0x1a: {  	[sflag:s9] =	ssyncadd.s32 $0xFFFFC000  }
0x1b: {  	s16 =	simm.s32 $0x0;
	[bflag:$0x0] =	sbarrier.arrive $0xFFFF  }
0x1c: {  	[spmem:s3] =	stream.indirect.scatter.add.f32 [tilespmem:s12], [sflag:$0x1], $0x10, s16, s13, $0xb8;
	[tilespmem:$0x9000] =	vst v63  }
0x1d: {  	_ =	swait.ge [sflag:s9], $0x800  }
0x1e: {  	s16 =	simm.s32 $0x200;
	[sflag:s9] =	ssyncset.done $0x0  }
.LBB2_2:
0x1f: {  	s17 =	sshra.s32 s16, $0x2;
	[sflag:s9] =	ssyncadd.s32 $0xFFFFF800;
	p0 =	sne.s32 s16, $0x9E00  }
0x20: {  	[spmem:s3] =	stream.indirect.scatter.add.f32 [tilespmem:s12], [sflag:$0x1], $0x10, s17, s13, $0xb8;
	[tilespmem:$0x9000] =	vst v63  }
.Ltmp0:
0x21: {  	_ = 	snop;
	(pc) =	sbr.rel @p0 .LBB2_2-.Ltmp0, $4  }
0x22: {  	_ = 	snop  }
0x23: {  	s16 =	sadd.s32 $0x200, s16  }
0x24: {  	_ =	swait.ge [sflag:s9], $0x800  }
0x25: {  	[sflag:s9] =	ssyncset.done $0x0  }
0x26: {  	s15 =	sadd.s32 $0x1, s15  }
0x27: {  	[sflag:s9] =	ssyncadd.s32 $0xFFFFF800;
	p0 =	sne.s32 s15, s8  }
.Ltmp1:
0x28: {  	[bflag:$0x0] =	sbarrier.arrive $0xFFFF;
	(pc) =	sbr.rel @p0 .LBB2_1-.Ltmp1, $4  }
0x29: {  	[hbm:s7], [sflag:s10] =	dma.local [spmem:s14], $0x2780  }
0x2a: {  	_ =	swait.ge [sflag:s9], $0x2780  }
0x2b: {  	[sflag:s9] =	ssyncset.done $0x0  }
0x2c: {  	[sflag:s9] =	ssyncadd.s32 $0xFFFFD880  }
0x2d: {  	_ =	sfence.sel $0x180000  }
0x2e: {  	[bflag:$0x0] =	sbarrier.arrive $0xFFFF  }
0x2f: {  	p0 =	sne.s32 s0, $0x0;
	_ =	strace $0x90000047  }
0x30: {  	s0 =	sadd.s32 @!p0 $0x100000, s1;
	[bflag:$0x2] =	sbarrier.arrive $0xFFFF  }
0x31: {  	[sflag:s0] =	ssyncadd.tile.s32 @!p0 $0x1;
	_ =	shalt  }
.Lfunc_end2:
_tile_overlayer_lowered:
.L_overlay_start_2:
0x32: {  	(tag) =	ssettag $0x2  }
0x33: {  	s0 =	rddreg [dreg:$0x0];
	s2 =	stileid.u32  }
0x34: {  	s1 =	rddreg [dreg:$0x1];
	p0 =	sne.s32 s2, $0x0  }
0x35: {  	s3 =	rddreg [dreg:$0x2];
	[bflag:$0x3] =	sbarrier.arrive $0xFFFF;
	s2 =	simm.s32 @!p0 $0x1C01  }
0x36: {  	[timem:s3], [sflag:s2] =	dma.local @!p0 [hbm:s0], s1  }
0x37: {  	s0 =	simm.s32 @!p0 $0x1  }
0x38: {  	_ =	swait.ge @!p0 [sflag:s0], s1  }
0x39: {  	s1 =	ssub.s32 @!p0 $0x0, s1;
	[sflag:s0] =	ssyncset.done @!p0 $0x0  }
0x3a: {  	[sflag:s0] =	ssyncadd.s32 @!p0 s1  }
0x3b: {  	[bflag:$0x3] =	sbarrier.arrive $0xFFFF  }
0x3c: {  	_ =	shalt  }

// kernel: kernel.9.cloned.1.call-start
scs
__scs_entry_jumppad:
0x0: {  	(pc) =	sbr.rel $0x88, $3  }
0x1: {  	(tag) =	ssettag $0x0;
	lr =	simm.s32 $0x1  }
0x2: {  	[smem:$0x3F9D] =	sst lr;
	_ =	strace $0xD0000000  }
0x3: {  	_ = 	snop  }
0x4: {  	_ = 	snop  }
0x5: {  	_ = 	snop  }
0x6: {  	_ = 	snop  }
0x7: {  	_ = 	snop  }
__scs_overlays_trampoline_lowered:
0x8: {  	[smem:$0x3FAC] =	sst s0  }
0x9: {  	[smem:$0x3FAD] =	sst s1  }
0xa: {  	[smem:$0x3FAE] =	sst s2  }
0xb: {  	[smem:$0x3FAF] =	sst s3  }
0xc: {  	[smem:$0x3FB0] =	sst s4  }
0xd: {  	[smem:$0x3FB1] =	sst s5  }
0xe: {  	[smem:$0x3FB2] =	sst s6  }
0xf: {  	[smem:$0x3FB3] =	sst s7  }
0x10: {  	[smem:$0x3FB4] =	sst s8  }
0x11: {  	[smem:$0x3FB5] =	sst s9;
	s0 =	simm.s32 @!p0 $0x0  }
0x12: {  	s1 =	sld [smem:$0x3F9B];
	s0 =	simm.s32 @p0 $0x1  }
0x13: {  	[smem:$0x3FB6] =	sst s0;
	s0 =	simm.s32 @!p1 $0x0  }
0x14: {  	s2 =	sld [smem:$0x3F9A];
	s0 =	simm.s32 @p1 $0x1  }
0x15: {  	[smem:$0x3FB7] =	sst s0;
	s0 =	simm.s32 @!p2 $0x0  }
0x16: {  	s3 =	sld [smem:$0x3FDB];
	s0 =	simm.s32 @p2 $0x1  }
0x17: {  	s4 =	simm.s32 $0x1BF5;
	[smem:$0x3FB9] =	sst s0  }
0x18: {  	s0 =	sld [smem:$0x3F9C];
	_ =	swait.ge [sflag:s4], $0x0  }
0x19: {  	s7 =	sld [smem:$0x3F9D]  }
0x1a: {  	s8 =	sadd.s32 $0xFFFFE003, lr  }
0x1b: {  	s9 =	sadd.s32 $0xFFFFFEF7, lr;
	s5 =	simm.s32 $0xFFFFFFFF;
	p2 =	slt.u32 s8, $0xFFFFF086  }
0x1c: {  	p1 =	slt.u32 s9, $0xF7A;
	s5 =	simm.s32 @!p2 $0x0  }
0x1d: {  	s5 =	simm.s32 @p1 $0x1;
	p0 =	seq.s32 s7, s2  }
0x1e: {  	s7 =	smul.u32 @!p0 $0xF7A, s2;
	p2 =	seq.s32 @!p0 s5, $0x0  }
0x1f: {  	s9 =	smul.u32 $0xF7A, s1;
	s8 =	simm.s32 @!p0 $0x1BF5;
	p2 =	por !p2, p0  }
0x20: {  	[sflag:s8] =	ssyncset.s32 @!p0 $0xFFFFF086;
	s6 =	sadd.s32 @!p0 s3, s7;
	s7 =	simm.s32 @!p0 $0x108  }
0x21: {  	s3 =	sadd.s32 s3, s9;
	s6 =	sadd.s32 @!p0 $0x88, s6;
	s7 =	simm.s32 @p2 $0x1082  }
0x22: {  	[simem:s7], [sflag:s8] =	dma.local @!p0 [hbm:s6], $0xF7A  }
0x23: {  	s9 =	sor.u32 $0xD0000000, s2;
	s6 =	simm.s32 $0x108;
	_ =	swait.ge @!p0 [sflag:s8], $0x0  }
0x24: {  	s3 =	sadd.s32 $0x88, s3;
	s6 =	simm.s32 @!p1 $0x1082;
	[sflag:s4] =	ssyncset.s32 $0xFFFFF086  }
0x25: {  	[simem:s6], [sflag:s4] =	dma.local [hbm:s3], $0xF7A  }
0x26: {  	[smem:$0x3F9D] =	sst s1;
	(tag) =	ssettag s2;
	_ =	strace s9  }
0x27: {  	s1 =	sld [smem:$0x3FAD]  }
0x28: {  	s2 =	sld [smem:$0x3FAE]  }
0x29: {  	s4 =	sld [smem:$0x3FB0]  }
0x2a: {  	p0 =	seq.s32 s5, $0x0;
	s5 =	sld [smem:$0x3FB1]  }
0x2b: {  	s6 =	sld [smem:$0x3FB2]  }
0x2c: {  	s7 =	sld [smem:$0x3FB3]  }
0x2d: {  	s3 =	simm.s32 $0x108;
	s8 =	sld [smem:$0x3FB4]  }
0x2e: {  	s3 =	simm.s32 @!p0 $0x1082;
	s9 =	sld [smem:$0x3FB5]  }
0x2f: {  	lr =	sadd.s32 s0, s3;
	s0 =	sld [smem:$0x3FAC]  }
0x30: {  	s3 =	sld [smem:$0x3FAF]  }
0x31: {  	[smem:$0x3FB8] =	sst s10  }
0x32: {  	s10 =	sld [smem:$0x3FB6];
	_ =	sdelay $0x3  }
0x33: {  	p0 =	seq.s32 s10, $0x1;
	s10 =	sld [smem:$0x3FB8];
	_ =	sdelay $0x3  }
0x34: {  	[smem:$0x3FB8] =	sst s10  }
0x35: {  	s10 =	sld [smem:$0x3FB7];
	_ =	sdelay $0x3  }
0x36: {  	p1 =	seq.s32 s10, $0x1;
	s10 =	sld [smem:$0x3FB8];
	_ =	sdelay $0x3  }
0x37: {  	[smem:$0x3FB8] =	sst s10  }
0x38: {  	s10 =	sld [smem:$0x3FB9]  }
0x39: {  	_ = 	snop;
	(pc) =	sbr.ind lr, $3  }
0x3a: {  	_ = 	snop  }
0x3b: {  	_ = 	snop  }
0x3c: {  	p2 =	seq.s32 s10, $0x1;
	s10 =	sld [smem:$0x3FB8]  }
0x3d: {  	_ =	shalt  }
0x3e: {  	_ =	shalt  }
0x3f: {  	_ =	shalt  }
0x40: {  	_ =	shalt  }
0x41: {  	_ =	shalt  }
0x42: {  	_ =	shalt  }
0x43: {  	_ =	shalt  }
0x44: {  	_ =	shalt  }
0x45: {  	_ =	shalt  }
0x46: {  	_ =	shalt  }
0x47: {  	_ =	shalt  }
0x48: {  	_ =	shalt  }
0x49: {  	_ =	shalt  }
0x4a: {  	_ =	shalt  }
0x4b: {  	_ =	shalt  }
0x4c: {  	_ =	shalt  }
0x4d: {  	_ =	shalt  }
0x4e: {  	_ =	shalt  }
0x4f: {  	_ =	shalt  }
0x50: {  	_ =	shalt  }
0x51: {  	_ =	shalt  }
0x52: {  	_ =	shalt  }
0x53: {  	_ =	shalt  }
0x54: {  	_ =	shalt  }
0x55: {  	_ =	shalt  }
0x56: {  	_ =	shalt  }
0x57: {  	_ =	shalt  }
0x58: {  	_ =	shalt  }
0x59: {  	_ =	shalt  }
0x5a: {  	_ =	shalt  }
0x5b: {  	_ =	shalt  }
0x5c: {  	_ =	shalt  }
0x5d: {  	_ =	shalt  }
0x5e: {  	_ =	shalt  }
0x5f: {  	_ =	shalt  }
0x60: {  	_ =	shalt  }
0x61: {  	_ =	shalt  }
0x62: {  	_ =	shalt  }
0x63: {  	_ =	shalt  }
0x64: {  	_ =	shalt  }
0x65: {  	_ =	shalt  }
0x66: {  	_ =	shalt  }
0x67: {  	_ =	shalt  }
0x68: {  	_ =	shalt  }
0x69: {  	_ =	shalt  }
0x6a: {  	_ =	shalt  }
0x6b: {  	_ =	shalt  }
0x6c: {  	_ =	shalt  }
0x6d: {  	_ =	shalt  }
0x6e: {  	_ =	shalt  }
0x6f: {  	_ =	shalt  }
0x70: {  	_ =	shalt  }
0x71: {  	_ =	shalt  }
0x72: {  	_ =	shalt  }
0x73: {  	_ =	shalt  }
0x74: {  	_ =	shalt  }
0x75: {  	_ =	shalt  }
0x76: {  	_ =	shalt  }
0x77: {  	_ =	shalt  }
0x78: {  	_ =	shalt  }
0x79: {  	_ =	shalt  }
0x7a: {  	_ =	shalt  }
0x7b: {  	_ =	shalt  }
0x7c: {  	_ =	shalt  }
0x7d: {  	_ =	shalt  }
0x7e: {  	_ =	shalt  }
0x7f: {  	_ =	shalt  }
0x80: {  	_ =	shalt  }
0x81: {  	_ =	shalt  }
0x82: {  	_ =	shalt  }
0x83: {  	_ =	shalt  }
0x84: {  	_ =	shalt  }
0x85: {  	_ =	shalt  }
0x86: {  	_ =	shalt  }
0x87: {  	_ =	shalt  }
.Lfunc_end0:
.L_simem_size_0:
called_computation.1_lowered:
.L_overlay_start_0:
0x88: {  	s2 =	sld [smem:$0x3FD9]  }
0x89: {  	s3 =	sld [smem:$0x3FFE];
	_ =	sdelay $0x1  }
0x8a: {  	s1 =	srdreg.scid  }
0x8b: {  	s0 =	sand.u32 $0x1, s1  }
0x8c: {  	s17 =	sshll.u32 s0, $0xA;
	s2 =	sadd.s32 s3, s2  }
0x8d: {  	s2 =	sadd.s32 s2, s17  }
0x8e: {  	[smem:$0x3FC4] =	sst s2  }
0x8f: {  	_ = 	snop  }
0x90: {  	s2 =	sld [smem:$0x3FD0];
	(tm) =	ssettm $0x1  }
0x91: {  	s18 =	sld [smem:$0x3FFB];
	_ =	sdelay $0x3  }
0x92: {  	_ =	strace s18  }
0x93: {  	s3 =	sld [smem:$0x3FFC];
	_ =	sdelay $0x3  }
0x94: {  	_ =	strace s3  }
0x95: {  	s3 =	sld [smem:$0x3FFD];
	_ =	sdelay $0x3  }
0x96: {  	_ =	strace s3  }
0x97: {  	_ =	strace $0x8FFFFFFF  }
0x98: {  	s19 =	sld [smem:$0x3FDB];
	_ =	sdelay $0x1  }
0x99: {  	s4 =	simm.s32 $_scs_section_size  }
0x9a: {  	s5 =	simm.s32 $_size__tile_overlayer_lowered;
	s6 =	simm.s32 $_tile_overlayer_lowered  }
0x9b: {  	s22 =	simm.s32 $0x1BFF;
	s21 =	sshll.u32 s6, $0x1;
	s3 =	sadd.s32 s4, s19  }
0x9c: {  	s7 =	simm.s32 $0x0;
	s20 =	sshll.u32 s5, $0x1;
	s5 =	sadd.s32 s21, s3  }
0x9d: {  	[timem:s7], [sflag:s22] =	dma.local [hbm:s5], s20  }
0x9e: {  	_ =	swait.ge [sflag:s22], s20  }
0x9f: {  	s4 =	ssub.s32 $0x0, s20;
	[sflag:s22] =	ssyncset.done $0x0  }
0xa0: {  	[sflag:s22] =	ssyncadd.s32 s4;
	_ =	sdelay $0x1  }
0xa1: {  	s23 =	simm.s32 $0x1B8B  }
0xa2: {  	_ =	swait.ge [sflag:s23], $0x1  }
0xa3: {  	[sflag:s23] =	ssyncset.done $0x0  }
0xa4: {  	s25 =	simm.s32 $0x1B8E;
	s24 =	sld [smem:$0x3FFE];
	[sflag:s23] =	ssyncadd.s32 $0xFFFFFFFF  }
0xa5: {  	s26 =	simm.s32 $execute0_lowered;
	[smem:$0x3FD2] =	sst s25  }
0xa6: {  	s5 =	sshll.u32 s26, $0x1;
	_ =	strace $0x80000049;
	[dreg:$0x1] =	wrdreg $0xFFFFFFFF  }
0xa7: {  	s28 =	simm.s32 $_size_execute0_lowered;
	s3 =	sadd.s32 s3, s5;
	[dreg:$0x0] =	wrdreg $0x0  }
0xa8: {  	s5 =	sshll.u32 s28, $0x1;
	[dreg:$0x2] =	wrdreg s3  }
0xa9: {  	[dreg:$0x3] =	wrdreg s5  }
0xaa: {  	[dreg:$0x4] =	wrdreg $0xC0  }
0xab: {  	_ =	task [dreg:s7], $0x5FFFF  }
0xac: {  	[dreg:$0x1] =	wrdreg $0xFFFFFFFF  }
0xad: {  	[dreg:$0x0] =	wrdreg $0x60  }
0xae: {  	[dreg:$0x2] =	wrdreg s2  }
0xaf: {  	[dreg:$0x3] =	wrdreg s24  }
0xb0: {  	[dreg:$0x4] =	wrdreg $0x90000  }
0xb1: {  	[dreg:$0x5] =	wrdreg $0x9  }
0xb2: {  	_ =	task.clear_ibuf [dreg:s7], $0x6FFFF;
	_ =	strace $0x90000049  }
0xb3: {  	s29 =	simm.s32 $0x9;
	_ =	strace $0x8000004B  }
0xb4: {  	_ =	swait.ge [sflag:s29], $0x1  }
0xb5: {  	[sflag:s29] =	ssyncadd.s32 $0xFFFFFFFF  }
0xb6: {  	_ =	strace $0x9000004B  }
0xb7: {  	_ =	sfence  }
0xb8: {  	s30 =	sld [smem:$0x0];
	_ =	sdelay $0x2  }
0xb9: {  	s31 =	sshll.u32 s1, $0xD;
	s1 =	sshrl.u32 s1, $0x2  }
0xba: {  	s3 =	sand.u32 $0x4000, s31;
	s1 =	sadd.s32 s1, s30  }
0xbb: {  	s0 =	sor.u32 s3, s0;
	s1 =	sshll.u32 s1, $0x11  }
0xbc: {  	s0 =	sor.u32 s1, s0  }
0xbd: {  	s0 =	sadd.s32 $0x8F2B, s0  }
0xbe: {  	[sflag:s0] =	ssyncadd.remote.s32 $0x1  }
0xbf: {  	_ =	sfence.sel $0xFFFF  }
0xc0: {  	[dreg:$0x0] =	wrdreg $0xFFFFFFFF;
	(pc) =	sbr.abs _section_cstart, $3  }
0xc1: {  	[dreg:$0x1] =	wrdreg $0xFFFFFFFF  }
0xc2: {  	_ =	task.clear_ibuf [dreg:s7], $0x2FFFF;
	_ =	strace $0x9FFFFFFF  }
0xc3: {  	(tm) =	ssettm $0x7FFFFFFF  }
tec
execute0_lowered:
.L_overlay_start_1:
0x0: {  	(tag) =	ssettag $0x1  }
0x1: {  	s2 =	srdreg.scid;
	s1 =	rddreg [dreg:$0x0]  }
0x2: {  	s0 =	stileid.u32;
	s7 =	rddreg [dreg:$0x1]  }
0x3: {  	s3 =	rddreg [dreg:$0x2];
	s4 =	simm.s32 $0x0;
	s14 =	simm.s32 $0x80  }
0x4: {  	s15 =	simm.s32 $0x5000;
	s16 =	simm.s32 $0x1;
	s9 =	smul.u32 $0x13C00, s0  }
0x5: {  	s18 =	simm.s32 $0x0;
	s6 =	sand.u32 $0x1, s2;
	s11 =	smul.u32 $0x50000, s0  }
0x6: {  	s26 =	sshll.u32 s0, $0x1;
	[smem:$0x7FF] =	sst s4;
	s12 =	smul.u32 $0x4F000, s0  }
0x7: {  	s31 =	sshll.u32 s0, $0x6;
	s2 =	sor.u32 s6, s26;
	s8 =	smul.u32 $0x13C000, s6  }
0x8: {  	s6 =	ssub.s32 $0x2, s6;
	s5 =	smul.u32 $0x500, s2;
	s2 =	rddreg [dreg:$0x3]  }
0x9: {  	_ =	strace $0x8000004A;
	s28 =	sshrl.u32 s6, $0x1;
	s29 =	sshrl.u32 s11, $0x2  }
0xa: {  	s30 =	sshrl.u32 s12, $0x2;
	s11 =	simm.s32 $0x2800;
	s12 =	sor.u32 $0x1C02, s31  }
0xb: {  	s8 =	sadd.s32 s9, s8;
	s9 =	ssub.s32 s6, s28;
	s13 =	sadd.s32 s29, s3  }
0xc: {  	s17 =	sadd.s32 s30, s3;
	s10 =	sadd.s32 s5, s7;
	s5 =	sadd.s32 $0xB200, s7  }
0xd: {  	s8 =	sshrl.u32 s8, $0x3;
	s9 =	smax.u32 s9, $0x1;
	s13 =	sshrl.u32 s13, $0x3  }
0xe: {  	s17 =	sshrl.u32 s17, $0x3;
	s8 =	sadd.s32 s8, s7;
	s6 =	sadd.s32 $0x5AA00, s10  }
0xf: {  	s7 =	sadd.s32 $0x1200, s10;
	s10 =	simm.s32 $0x2;
	s8 =	sadd.s32 $0x64A00, s8  }
.LBB2_1:
0x10: {  	[tilespmem:s4], [sflag:$0x2] =	stream.linear.gather [hbm4b:s6+s4], $0x2800, $0x38;
	[tilespmem:$0x1D000] =	vst v63  }
0x11: {  	_ =	swait.ge [sflag:s10], $0x2800  }
0x12: {  	[sflag:s10] =	ssyncset.done $0x0  }
0x13: {  	[sflag:s10] =	ssyncadd.s32 $0xFFFFD800  }
0x14: {  	[tilespmem:s11], [sflag:$0x2] =	stream.linear.gather [hbm4b:s7+s4], $0x2800, $0x38;
	[tilespmem:$0x1D000] =	vst v63  }
0x15: {  	_ =	swait.ge [sflag:s10], $0x2800  }
0x16: {  	[sflag:s10] =	ssyncset.done $0x0  }
0x17: {  	[sflag:s10] =	ssyncadd.s32 $0xFFFFD800  }
0x18: {  	[spmem:s13], [sflag:s12] =	dma.local [hbm:s5], $0x2800  }
0x19: {  	_ =	swait.ge [sflag:s10], $0x2800  }
0x1a: {  	[sflag:s10] =	ssyncset.done $0x0  }
0x1b: {  	[sflag:s10] =	ssyncadd.s32 $0xFFFFD800  }
0x1c: {  	s19 =	simm.s32 $0x0;
	[bflag:$0x0] =	sbarrier.arrive $0xFFFF  }
0x1d: {  	[tilespmem:s15], [sflag:$0x1] =	stream.indirect.gather [hbm4b:s1+s14], $0x80, s19, s14, $0xb8;
	[tilespmem:$0x1D000] =	vst v63  }
0x1e: {  	_ =	swait.ge [sflag:s16], $0x4000  }
0x1f: {  	[sflag:s16] =	ssyncset.done $0x0  }
0x20: {  	s31 =	simm.s32 $0x2800;
	[sflag:s16] =	ssyncadd.s32 $0xFFFFC000  }
0x21: {  	[spmem:s3] =	stream.indirect.scatter.add.f32 [tilespmem:s15], [sflag:$0x2], $0x80, s31, s14, $0xb8;
	[tilespmem:$0x1D000] =	vst v63  }
0x22: {  	_ =	swait.ge [sflag:s10], $0x4000  }
0x23: {  	s20 =	simm.s32 $0x400;
	s19 =	simm.s32 $0x200;
	[sflag:s10] =	ssyncset.done $0x0  }
.LBB2_2:
0x24: {  	s21 =	sshra.s32 s19, $0x2  }
0x25: {  	[sflag:s10] =	ssyncadd.s32 $0xFFFFC000;
	s19 =	smov.u32 s20;
	s22 =	sadd.s32 $0x200, s20  }
0x26: {  	[tilespmem:s15], [sflag:$0x1] =	stream.indirect.gather [hbm4b:s1+s14], $0x80, s21, s14, $0xb8;
	[tilespmem:$0x1D000] =	vst v63  }
0x27: {  	p0 =	sne.s32 s20, $0x9E00;
	_ =	swait.ge [sflag:s16], $0x4000  }
.Ltmp0:
0x28: {  	[sflag:s16] =	ssyncset.done $0x0;
	(pc) =	sbr.rel @p0 .LBB2_2-.Ltmp0, $4  }
0x29: {  	s20 =	sadd.s32 $0x2800, s21;
	[sflag:s16] =	ssyncadd.s32 $0xFFFFC000  }
0x2a: {  	[spmem:s3] =	stream.indirect.scatter.add.f32 [tilespmem:s15], [sflag:$0x2], $0x80, s20, s14, $0xb8;
	[tilespmem:$0x1D000] =	vst v63  }
0x2b: {  	_ =	swait.ge [sflag:s10], $0x4000  }
0x2c: {  	s20 =	smov.u32 s22;
	[sflag:s10] =	ssyncset.done $0x0  }
0x2d: {  	s19 =	sshra.s32 s19, $0x2;
	[sflag:s10] =	ssyncadd.s32 $0xFFFFC000  }
0x2e: {  	[tilespmem:s15], [sflag:$0x1] =	stream.indirect.gather [hbm4b:s1+s14], $0x80, s19, s14, $0xb8;
	[tilespmem:$0x1D000] =	vst v63  }
0x2f: {  	_ =	swait.ge [sflag:s16], $0x4000  }
0x30: {  	[sflag:s16] =	ssyncset.done $0x0  }
0x31: {  	s19 =	sadd.s32 $0x2800, s19;
	[sflag:s16] =	ssyncadd.s32 $0xFFFFC000  }
0x32: {  	[spmem:s3] =	stream.indirect.scatter.add.f32 [tilespmem:s15], [sflag:$0x2], $0x80, s19, s14, $0xb8;
	[tilespmem:$0x1D000] =	vst v63  }
0x33: {  	_ =	swait.ge [sflag:s10], $0x4000  }
0x34: {  	s18 =	sadd.s32 $0x1, s18;
	[sflag:s10] =	ssyncset.done $0x0  }
0x35: {  	p0 =	sne.s32 s18, s9;
	[sflag:s10] =	ssyncadd.s32 $0xFFFFC000  }
.Ltmp1:
0x36: {  	[bflag:$0x0] =	sbarrier.arrive $0xFFFF;
	(pc) =	sbr.rel @p0 .LBB2_1-.Ltmp1, $4  }
0x37: {  	[hbm:s8], [sflag:s12] =	dma.local [spmem:s17], $0x2780  }
0x38: {  	_ =	swait.ge [sflag:s10], $0x2780  }
0x39: {  	[sflag:s10] =	ssyncset.done $0x0  }
0x3a: {  	[sflag:s10] =	ssyncadd.s32 $0xFFFFD880  }
0x3b: {  	_ =	sfence.sel $0x180000  }
0x3c: {  	[bflag:$0x0] =	sbarrier.arrive $0xFFFF  }
0x3d: {  	p0 =	sne.s32 s0, $0x0;
	_ =	strace $0x9000004A  }
0x3e: {  	s0 =	sadd.s32 @!p0 $0x100000, s2;
	[bflag:$0x2] =	sbarrier.arrive $0xFFFF  }
0x3f: {  	[sflag:s0] =	ssyncadd.tile.s32 @!p0 $0x1;
	_ =	shalt  }
.Lfunc_end2:
_tile_overlayer_lowered:
.L_overlay_start_2:
0x40: {  	(tag) =	ssettag $0x2  }
0x41: {  	s0 =	rddreg [dreg:$0x0];
	s2 =	stileid.u32  }
0x42: {  	s1 =	rddreg [dreg:$0x1];
	p0 =	sne.s32 s2, $0x0  }
0x43: {  	s3 =	rddreg [dreg:$0x2];
	[bflag:$0x3] =	sbarrier.arrive $0xFFFF;
	s2 =	simm.s32 @!p0 $0x1C02  }
0x44: {  	[timem:s3], [sflag:s2] =	dma.local @!p0 [hbm:s0], s1  }
0x45: {  	s0 =	simm.s32 @!p0 $0x2  }
0x46: {  	_ =	swait.ge @!p0 [sflag:s0], s1  }
0x47: {  	s1 =	ssub.s32 @!p0 $0x0, s1;
	[sflag:s0] =	ssyncset.done @!p0 $0x0  }
0x48: {  	[sflag:s0] =	ssyncadd.s32 @!p0 s1  }
0x49: {  	[bflag:$0x3] =	sbarrier.arrive $0xFFFF  }
0x4a: {  	_ =	shalt  }

</sc_bundles>
